<compile_context>
chip_gen: v7x
topology: tpu7x:2x2x1
jax: 0.10.2.dev20260603
libtpu: 0.0.44.dev20260713+nightly
codegen_flags: <defaults>
</compile_context>

<pallas_src>
import functools

import jax
import jax.numpy as jnp
from jax import lax
from jax.experimental import pallas as pl
from jax.experimental.pallas import tpu as pltpu
from jax.experimental.pallas import tpu_sc as plsc

P0 = 200
PP = 256
D = 1024
N = 16384
TOPK = 3
BLK = 2048
NEG = -3.0e38
RPW = 8
NW = P0 // RPW


def _counts_body(s_ref, ssq_ref, p_ref, psq_ref, out_ref, pn_ref):
    i = pl.program_id(0)

    @pl.when(i == 0)
    def _():
        pr = p_ref[...]
        pn_ref[...] = pr / (jnp.sqrt(psq_ref[...][:, 0:1]) + 1e-8)

    x = s_ref[...]
    xn = x / (jnp.sqrt(ssq_ref[...][:, 0:1]) + 1e-8)
    pn = pn_ref[...]
    sim = lax.dot_general(pn, xn, (((1,), (1,)), ((), ())),
                          preferred_element_type=jnp.float32)
    rows = lax.broadcasted_iota(jnp.int32, sim.shape, 0)
    m = jnp.where(rows < P0, sim, NEG)
    onehot = jnp.zeros_like(sim)
    for _ in range(TOPK):
        v = jnp.max(m, axis=0, keepdims=True)
        cand = jnp.where(m == v, rows, PP)
        imin = jnp.min(cand, axis=0, keepdims=True)
        sel = rows == imin
        onehot += sel.astype(jnp.float32)
        m = jnp.where(sel, NEG, m)
    blk = jnp.sum(onehot, axis=1, keepdims=True)

    @pl.when(i == 0)
    def _():
        out_ref[...] = jnp.zeros_like(out_ref)

    out_ref[...] += jnp.broadcast_to(blk, (PP, 8))


def _tail_body(c_ref, p_ref, w_ref, pw_ref, ord_ref, pi_ref):
    pw_ref[...] = jnp.dot(p_ref[...], w_ref[...],
                          preferred_element_type=jnp.float32)
    ccol = c_ref[...][:, 0:1]
    rows = lax.broadcasted_iota(jnp.int32, (PP, PP), 0)
    lanes = lax.broadcasted_iota(jnp.int32, (PP, PP), 1)
    diagd = jnp.where(rows == lanes, jnp.broadcast_to(ccol, (PP, PP)), 0.0)
    crow = lax.dot_general(jnp.ones((1, PP), jnp.float32), diagd,
                           (((1,), (0,)), ((), ())),
                           precision=lax.Precision.HIGHEST,
                           preferred_element_type=jnp.float32)
    ricol = lax.broadcasted_iota(jnp.int32, (PP, 1), 0)
    lirow = lax.broadcasted_iota(jnp.int32, (1, PP), 1)
    kcol = jnp.where(ricol < P0,
                     ccol.astype(jnp.int32) * PP + (PP - 1 - ricol),
                     -1 - ricol)
    krow = jnp.where(lirow < P0,
                     crow.astype(jnp.int32) * PP + (PP - 1 - lirow),
                     -1 - lirow)
    gt = (kcol > krow).astype(jnp.float32)
    rank = jnp.sum(gt, axis=0, keepdims=True)
    pm = (jnp.broadcast_to(rank.astype(jnp.int32), (PP, PP)) == rows)
    pmf = pm.astype(jnp.float32)
    ordv = jnp.sum(pmf * lanes.astype(jnp.float32), axis=1, keepdims=True)
    ord_i = jnp.minimum(ordv.astype(jnp.int32), P0 - 1)
    piv = jnp.sum(pmf * (crow / 49152.0), axis=1, keepdims=True)
    ord_ref[...] = jnp.broadcast_to(ord_i, (PP, 8))
    pi_ref[...] = jnp.broadcast_to(piv, (PP, 8))


@functools.lru_cache(maxsize=1)
def _make_sc_gather():
  @functools.partial(
      pl.kernel,
      mesh=plsc.VectorSubcoreMesh(core_axis_name="c", subcore_axis_name="s"),
      out_type=jax.ShapeDtypeStruct((P0, 2 * D), jnp.float32),
      scratch_types=[
          pltpu.VMEM((RPW,), jnp.int32),
          pltpu.VMEM((RPW, D), jnp.float32),
          pltpu.VMEM((RPW, D), jnp.float32),
          pltpu.SemaphoreType.DMA,
      ],
  )
  def _sc_gather(ord_hbm, proto_hbm, pw_hbm, out_hbm,
                 idx8, rows_a, rows_b, sem):
    wid = lax.axis_index("s") * 2 + lax.axis_index("c")

    @pl.when(wid < NW)
    def _():
      base = wid * RPW
      pltpu.sync_copy(ord_hbm.at[pl.ds(base, RPW)], idx8)
      ca = pltpu.async_copy(proto_hbm.at[idx8], rows_a, sem)
      cb = pltpu.async_copy(pw_hbm.at[idx8], rows_b, sem)
      ca.wait()
      cb.wait()
      pltpu.sync_copy(rows_a, out_hbm.at[pl.ds(base, RPW), pl.ds(0, D)])
      pltpu.sync_copy(rows_b, out_hbm.at[pl.ds(base, RPW), pl.ds(D, D)])

  return _sc_gather


def kernel(S, prototypes, W_proj):
    Sq = S[0]
    Ppad = jnp.pad(prototypes, ((0, PP - P0), (0, 0)))
    ssq8 = jnp.broadcast_to(jnp.sum(Sq * Sq, axis=-1, keepdims=True), (N, 8))
    psq8 = jnp.broadcast_to(
        jnp.sum(Ppad * Ppad, axis=-1, keepdims=True), (PP, 8))

    counts_col = pl.pallas_call(
        _counts_body,
        grid=(N // BLK,),
        in_specs=[
            pl.BlockSpec((BLK, D), lambda i: (i, 0)),
            pl.BlockSpec((BLK, 8), lambda i: (i, 0)),
            pl.BlockSpec((PP, D), lambda i: (0, 0)),
            pl.BlockSpec((PP, 8), lambda i: (0, 0)),
        ],
        out_specs=pl.BlockSpec((PP, 8), lambda i: (0, 0)),
        out_shape=jax.ShapeDtypeStruct((PP, 8), jnp.float32),
        scratch_shapes=[pltpu.VMEM((PP, D), jnp.float32)],
    )(Sq, ssq8, Ppad, psq8)

    pw, ord8, pi8 = pl.pallas_call(
        _tail_body,
        in_specs=[
            pl.BlockSpec((PP, 8), lambda: (0, 0)),
            pl.BlockSpec((P0, D), lambda: (0, 0)),
            pl.BlockSpec((D, D), lambda: (0, 0)),
        ],
        out_specs=(
            pl.BlockSpec((P0, D), lambda: (0, 0)),
            pl.BlockSpec((PP, 8), lambda: (0, 0)),
            pl.BlockSpec((PP, 8), lambda: (0, 0)),
        ),
        out_shape=(
            jax.ShapeDtypeStruct((P0, D), jnp.float32),
            jax.ShapeDtypeStruct((PP, 8), jnp.int32),
            jax.ShapeDtypeStruct((PP, 8), jnp.float32),
        ),
    )(counts_col, prototypes, W_proj)

    out2d = _make_sc_gather()(ord8[:, 0], prototypes, pw)
    return jnp.concatenate([pi8[:P0, 0], out2d.reshape(-1)])[None, :]

# --- scband reference (transcript-rebuilt; emitter-appended) ---
"""Pipeline reference for scband-non-param-base-iter-27779848471145 (READ-ONLY COPY).

The authoritative reference and input builder live on the scoring server;
editing this copy changes nothing except your own understanding.
"""

import jax, jax.numpy as jnp
import numpy as np

P = 200        # pool_size hardcoded in reinit_retriever
D = 1024       # embed_dim / d
N = 16384      # query tokens
TOP_K = 3      # retriever top_k


def setup_inputs(seed: int = 0) -> dict:
    key = jax.random.key(seed)
    k1, k2, k3 = jax.random.split(key, 3)
    S = jax.random.normal(k1, (1, N, D), dtype=jnp.float32)
    # learned / pool parameters (retriever.pool.prompt and projection head)
    prototypes = jax.random.normal(k2, (P, D), dtype=jnp.float32)
    W_proj = jax.random.normal(k3, (D, D), dtype=jnp.float32) * 0.02
    return {"S": S, "prototypes": prototypes, "W_proj": W_proj}


def reference(S, prototypes, W_proj):
    # Inference retrieval path of NonParamBaseIter.forward (out='allcat'):
    # 1) retrieve top-k prototypes per query by cosine similarity
    # 2) count how often each prototype is retrieved -> sort desc -> pi = count/sum
    # 3) gather selected prototypes and their projected versions, concat
    # 4) allcat output: [pi, flatten(cat(selected, projected))]
    Sq = S[0]                                                   # [N, D]
    Sn = Sq / (jnp.linalg.norm(Sq, axis=-1, keepdims=True) + 1e-8)
    Pn = prototypes / (jnp.linalg.norm(prototypes, axis=-1, keepdims=True) + 1e-8)
    sim = Sn @ Pn.T                                             # [N, P]
    _vals, idx = jax.lax.top_k(sim, TOP_K)                      # [N, TOP_K]
    counts = jnp.bincount(idx.reshape(-1), length=P).astype(jnp.float32)  # [P]
    order = jnp.argsort(-counts)                                # descending retrieval count
    counts_sorted = counts[order]
    pi = counts_sorted / jnp.sum(counts_sorted)                 # [P]
    selected = jnp.take(prototypes, order, axis=0)              # [P, D]
    projected = selected @ W_proj                               # [P, D]
    protos = jnp.concatenate([selected, projected], axis=-1)    # [P, 2D]
    out = jnp.concatenate([pi, protos.reshape(-1)])[None, :]    # [1, P + 2*P*D]
    return out

if __name__ == "__main__":
    import jax
    _d = setup_inputs()
    print(jax.jit(kernel)(*tuple(_d.values())))

</pallas_src>

<mosaic_0001>
#map = affine_map<(d0, d1) -> (0)>
#map1 = affine_map<(d0, d1) -> (0, 0)>
module attributes {stable_mosaic.version = 14 : i64} {
  func.func @_sc_gather(%arg0: i32, %arg1: i32, %arg2: memref<256xi32, #tpu.memory_space<hbm>>, %arg3: memref<200x1024xf32, #tpu.memory_space<hbm>>, %arg4: memref<200x1024xf32, #tpu.memory_space<hbm>>, %arg5: memref<200x2048xf32, #tpu.memory_space<hbm>>, %arg6: memref<8xi32, #tpu.memory_space<vmem>>, %arg7: memref<8x1024xf32, #tpu.memory_space<vmem>>, %arg8: memref<8x1024xf32, #tpu.memory_space<vmem>>, %arg9: memref<!tpu.dma_semaphore, #tpu.memory_space<semaphore_mem>>) attributes {dimension_semantics = [#tpu.dimension_semantics<core_parallel>, #tpu.dimension_semantics<subcore_parallel>], iteration_bounds = array<i64: 2, 16>, scalar_prefetch = 0 : i64, scratch_operands = 4 : i64, tpu.core_type = #tpu.core_type<sc_vector_subcore>, window_params = [{transform_indices = #map}, {transform_indices = #map1}, {transform_indices = #map1}, {transform_indices = #map1}]} {
    %mul3A = arith.constant 2 : i32
    %mul3A_0 = arith.muli %arg1, %mul3A : i32
    %add3A = arith.addi %mul3A_0, %arg0 : i32
    %lt3A = arith.constant 25 : i32
    %lt3A_1 = arith.cmpi slt, %add3A, %lt3A : i32
    %convert_element_type3A = arith.extui %lt3A_1 : i1 to i32
    %cond3A = arith.constant 0 : i32
    %cond3A_2 = arith.cmpi ne, %convert_element_type3A, %cond3A : i32
    scf.if %cond3A_2 {
      %mul3A_3 = arith.constant 8 : i32
      %mul3A_4 = arith.muli %add3A, %mul3A_3 : i32
      "tpu.region"() ({
        %run_scoped3A = tpu.sem_alloc : memref<!tpu.dma_semaphore, #tpu.memory_space<semaphore_mem>>
        %dma_start3A_15 = tpu.memref_slice %arg2[%mul3A_4] : memref<256xi32, #tpu.memory_space<hbm>> -> memref<8xi32, #tpu.memory_space<hbm>>
        %dma_start3A_16 = tpu.memref_slice %arg2[%mul3A_4] : memref<256xi32, #tpu.memory_space<hbm>> -> memref<8xi32, #tpu.memory_space<hbm>>
        tpu.enqueue_dma source(%dma_start3A_16 : memref<8xi32, #tpu.memory_space<hbm>>) target(%arg6 : memref<8xi32, #tpu.memory_space<vmem>>) target_semaphore(%run_scoped3A : memref<!tpu.dma_semaphore, #tpu.memory_space<semaphore_mem>>)
        %dma_wait3A_17 = tpu.memref_slice %arg2[%mul3A_4] : memref<256xi32, #tpu.memory_space<hbm>> -> memref<8xi32, #tpu.memory_space<hbm>>
        %dma_wait3A_18 = tpu.memref_slice %arg2[%mul3A_4] : memref<256xi32, #tpu.memory_space<hbm>> -> memref<8xi32, #tpu.memory_space<hbm>>
        tpu.wait_dma2 semaphore(%run_scoped3A : memref<!tpu.dma_semaphore, #tpu.memory_space<semaphore_mem>>) src(%dma_wait3A_18 : memref<8xi32, #tpu.memory_space<hbm>>) dst(%arg6 : memref<8xi32, #tpu.memory_space<vmem>>)
        tpu.yield
      }) : () -> ()
      %dma_start3A = arith.constant 0 : i32
      %dma_start3A_5 = arith.constant 0 : i32
      %dma_start3A_6 = tpu.memref_slice %arg3[%dma_start3A, %dma_start3A_5] : memref<200x1024xf32, #tpu.memory_space<hbm>> -> memref<200x1024xf32, #tpu.memory_space<hbm>>
      tpu.enqueue_indirect_dma source(%dma_start3A_6 : memref<200x1024xf32, #tpu.memory_space<hbm>>) target(%arg7 : memref<8x1024xf32, #tpu.memory_space<vmem>>) offsets(%arg6 : memref<8xi32, #tpu.memory_space<vmem>>) semaphore(%arg9 : memref<!tpu.dma_semaphore, #tpu.memory_space<semaphore_mem>>)
      %dma_start3A_7 = arith.constant 0 : i32
      %dma_start3A_8 = arith.constant 0 : i32
      %dma_start3A_9 = tpu.memref_slice %arg4[%dma_start3A_7, %dma_start3A_8] : memref<200x1024xf32, #tpu.memory_space<hbm>> -> memref<200x1024xf32, #tpu.memory_space<hbm>>
      tpu.enqueue_indirect_dma source(%dma_start3A_9 : memref<200x1024xf32, #tpu.memory_space<hbm>>) target(%arg8 : memref<8x1024xf32, #tpu.memory_space<vmem>>) offsets(%arg6 : memref<8xi32, #tpu.memory_space<vmem>>) semaphore(%arg9 : memref<!tpu.dma_semaphore, #tpu.memory_space<semaphore_mem>>)
      %dma_wait3A = arith.constant 0 : i32
      %dma_wait3A_10 = arith.constant 0 : i32
      %dma_wait3A_11 = tpu.memref_slice %arg3[%dma_wait3A, %dma_wait3A_10] : memref<200x1024xf32, #tpu.memory_space<hbm>> -> memref<200x1024xf32, #tpu.memory_space<hbm>>
      tpu.wait_indirect_dma semaphore(%arg9 : memref<!tpu.dma_semaphore, #tpu.memory_space<semaphore_mem>>) src(%dma_wait3A_11 : memref<200x1024xf32, #tpu.memory_space<hbm>>) dst(%arg7 : memref<8x1024xf32, #tpu.memory_space<vmem>>)
      %dma_wait3A_12 = arith.constant 0 : i32
      %dma_wait3A_13 = arith.constant 0 : i32
      %dma_wait3A_14 = tpu.memref_slice %arg4[%dma_wait3A_12, %dma_wait3A_13] : memref<200x1024xf32, #tpu.memory_space<hbm>> -> memref<200x1024xf32, #tpu.memory_space<hbm>>
      tpu.wait_indirect_dma semaphore(%arg9 : memref<!tpu.dma_semaphore, #tpu.memory_space<semaphore_mem>>) src(%dma_wait3A_14 : memref<200x1024xf32, #tpu.memory_space<hbm>>) dst(%arg8 : memref<8x1024xf32, #tpu.memory_space<vmem>>)
      "tpu.region"() ({
        %run_scoped3A = tpu.sem_alloc : memref<!tpu.dma_semaphore, #tpu.memory_space<semaphore_mem>>
        %dma_start3A_15 = arith.constant 0 : i32
        %dma_start3A_16 = tpu.memref_slice %arg5[%mul3A_4, %dma_start3A_15] : memref<200x2048xf32, #tpu.memory_space<hbm>> -> memref<8x1024xf32, #tpu.memory_space<hbm>>
        %dma_start3A_17 = arith.constant 0 : i32
        %dma_start3A_18 = tpu.memref_slice %arg5[%mul3A_4, %dma_start3A_17] : memref<200x2048xf32, #tpu.memory_space<hbm>> -> memref<8x1024xf32, #tpu.memory_space<hbm>>
        tpu.enqueue_dma source(%arg7 : memref<8x1024xf32, #tpu.memory_space<vmem>>) target(%dma_start3A_18 : memref<8x1024xf32, #tpu.memory_space<hbm>>) target_semaphore(%run_scoped3A : memref<!tpu.dma_semaphore, #tpu.memory_space<semaphore_mem>>)
        %dma_wait3A_19 = arith.constant 0 : i32
        %dma_wait3A_20 = tpu.memref_slice %arg5[%mul3A_4, %dma_wait3A_19] : memref<200x2048xf32, #tpu.memory_space<hbm>> -> memref<8x1024xf32, #tpu.memory_space<hbm>>
        %dma_wait3A_21 = arith.constant 0 : i32
        %dma_wait3A_22 = tpu.memref_slice %arg5[%mul3A_4, %dma_wait3A_21] : memref<200x2048xf32, #tpu.memory_space<hbm>> -> memref<8x1024xf32, #tpu.memory_space<hbm>>
        tpu.wait_dma2 semaphore(%run_scoped3A : memref<!tpu.dma_semaphore, #tpu.memory_space<semaphore_mem>>) src(%arg7 : memref<8x1024xf32, #tpu.memory_space<vmem>>) dst(%dma_wait3A_22 : memref<8x1024xf32, #tpu.memory_space<hbm>>)
        tpu.yield
      }) : () -> ()
      "tpu.region"() ({
        %run_scoped3A = tpu.sem_alloc : memref<!tpu.dma_semaphore, #tpu.memory_space<semaphore_mem>>
        %dma_start3A_15 = arith.constant 1024 : i32
        %dma_start3A_16 = tpu.memref_slice %arg5[%mul3A_4, %dma_start3A_15] : memref<200x2048xf32, #tpu.memory_space<hbm>> -> memref<8x1024xf32, #tpu.memory_space<hbm>>
        %dma_start3A_17 = arith.constant 1024 : i32
        %dma_start3A_18 = tpu.memref_slice %arg5[%mul3A_4, %dma_start3A_17] : memref<200x2048xf32, #tpu.memory_space<hbm>> -> memref<8x1024xf32, #tpu.memory_space<hbm>>
        tpu.enqueue_dma source(%arg8 : memref<8x1024xf32, #tpu.memory_space<vmem>>) target(%dma_start3A_18 : memref<8x1024xf32, #tpu.memory_space<hbm>>) target_semaphore(%run_scoped3A : memref<!tpu.dma_semaphore, #tpu.memory_space<semaphore_mem>>)
        %dma_wait3A_19 = arith.constant 1024 : i32
        %dma_wait3A_20 = tpu.memref_slice %arg5[%mul3A_4, %dma_wait3A_19] : memref<200x2048xf32, #tpu.memory_space<hbm>> -> memref<8x1024xf32, #tpu.memory_space<hbm>>
        %dma_wait3A_21 = arith.constant 1024 : i32
        %dma_wait3A_22 = tpu.memref_slice %arg5[%mul3A_4, %dma_wait3A_21] : memref<200x2048xf32, #tpu.memory_space<hbm>> -> memref<8x1024xf32, #tpu.memory_space<hbm>>
        tpu.wait_dma2 semaphore(%run_scoped3A : memref<!tpu.dma_semaphore, #tpu.memory_space<semaphore_mem>>) src(%arg8 : memref<8x1024xf32, #tpu.memory_space<vmem>>) dst(%dma_wait3A_22 : memref<8x1024xf32, #tpu.memory_space<hbm>>)
        tpu.yield
      }) : () -> ()
    } else {
    }
    return
  }
}

module attributes {stable_mosaic.version = 14 : i64} {
  func.func @_counts_body(%arg0: i32, %arg1: memref<2048x1024xf32, #tpu.memory_space<vmem>>, %arg2: memref<2048x8xf32, #tpu.memory_space<vmem>>, %arg3: memref<256x1024xf32, #tpu.memory_space<vmem>>, %arg4: memref<256x8xf32, #tpu.memory_space<vmem>>, %arg5: memref<256x8xf32, #tpu.memory_space<vmem>>, %arg6: memref<256x1024xf32, #tpu.memory_space<vmem>>) attributes {dimension_semantics = [#tpu.dimension_semantics<arbitrary>], iteration_bounds = array<i64: 8>, scalar_prefetch = 0 : i64, scratch_operands = 1 : i64, tpu.core_type = #tpu.core_type<tc>, window_params = [{transform_indices = @transform_0, window_bounds = array<i64: 2048, 1024>}, {transform_indices = @transform_1, window_bounds = array<i64: 2048, 8>}, {pipeline_mode = #tpu.pipeline_mode<synchronous>, transform_indices = @transform_2, window_bounds = array<i64: 256, 1024>}, {pipeline_mode = #tpu.pipeline_mode<synchronous>, transform_indices = @transform_3, window_bounds = array<i64: 256, 8>}, {pipeline_mode = #tpu.pipeline_mode<synchronous>, transform_indices = @transform_4, window_bounds = array<i64: 256, 8>}]} {
    %eq3A = arith.constant 0 : i32
    %eq3A_0 = arith.cmpi eq, %arg0, %eq3A : i32
    %convert_element_type3A = arith.extui %eq3A_0 : i1 to i32
    %cond3A = arith.constant 0 : i32
    %cond3A_1 = arith.cmpi ne, %convert_element_type3A, %cond3A : i32
    scf.if %cond3A_1 {
      %get3A_85 = arith.constant 0 : index
      %get3A_86 = arith.constant 0 : index
      %get3A_87 = vector.load %arg3[%get3A_85, %get3A_86] : memref<256x1024xf32, #tpu.memory_space<vmem>>, vector<256x1024xf32>
      %get3A_88 = arith.constant 0 : index
      %get3A_89 = arith.constant 0 : index
      %get3A_90 = vector.load %arg4[%get3A_88, %get3A_89] : memref<256x8xf32, #tpu.memory_space<vmem>>, vector<256x8xf32>
      %slice3A_91 = vector.extract_strided_slice %get3A_90 {offsets = [0, 0], sizes = [256, 1], strides = [1, 1]} : vector<256x8xf32> to vector<256x1xf32>
      %sqrt3A_92 = math.sqrt %slice3A_91 : vector<256x1xf32>
      %add3A_93 = arith.constant 9.99999993E-9 : f32
      %add3A_94 = vector.broadcast %add3A_93 : f32 to vector<256x1xf32>
      %add3A_95 = arith.addf %sqrt3A_92, %add3A_94 : vector<256x1xf32>
      %div3A_96 = vector.broadcast %add3A_95 : vector<256x1xf32> to vector<256x1024xf32>
      %div3A_97 = arith.divf %get3A_87, %div3A_96 : vector<256x1024xf32>
      %swap3A_98 = arith.constant 0 : index
      %swap3A_99 = arith.constant 0 : index
      %swap3A_100 = vector.load %arg6[%swap3A_98, %swap3A_99] : memref<256x1024xf32, #tpu.memory_space<vmem>>, vector<256x1024xf32>
      tpu.vector_store %arg6[%swap3A_98, %swap3A_99], %div3A_97 {strides = array<i32>} : memref<256x1024xf32, #tpu.memory_space<vmem>>, vector<256x1024xf32>,
    } else {
    }
    %get3A = arith.constant 0 : index
    %get3A_2 = arith.constant 0 : index
    %get3A_3 = vector.load %arg1[%get3A, %get3A_2] : memref<2048x1024xf32, #tpu.memory_space<vmem>>, vector<2048x1024xf32>
    %get3A_4 = arith.constant 0 : index
    %get3A_5 = arith.constant 0 : index
    %get3A_6 = vector.load %arg2[%get3A_4, %get3A_5] : memref<2048x8xf32, #tpu.memory_space<vmem>>, vector<2048x8xf32>
    %slice3A = vector.extract_strided_slice %get3A_6 {offsets = [0, 0], sizes = [2048, 1], strides = [1, 1]} : vector<2048x8xf32> to vector<2048x1xf32>
    %sqrt3A = math.sqrt %slice3A : vector<2048x1xf32>
    %add3A = arith.constant 9.99999993E-9 : f32
    %add3A_7 = vector.broadcast %add3A : f32 to vector<2048x1xf32>
    %add3A_8 = arith.addf %sqrt3A, %add3A_7 : vector<2048x1xf32>
    %div3A = vector.broadcast %add3A_8 : vector<2048x1xf32> to vector<2048x1024xf32>
    %div3A_9 = arith.divf %get3A_3, %div3A : vector<2048x1024xf32>
    %get3A_10 = arith.constant 0 : index
    %get3A_11 = arith.constant 0 : index
    %get3A_12 = vector.load %arg6[%get3A_10, %get3A_11] : memref<256x1024xf32, #tpu.memory_space<vmem>>, vector<256x1024xf32>
    %dot_general3A = arith.constant dense<0.000000e+00> : vector<256x2048xf32>
    %dot_general3A_13 = tpu.matmul %get3A_12, %div3A_9, %dot_general3A {dimension_numbers = #tpu.dot_dimension_numbers<[1], [1], [0], [0], [0, 0, 1, 0], [], []>, transpose_lhs_hint = false} : vector<256x1024xf32>, vector<2048x1024xf32>, vector<256x2048xf32> -> vector<256x2048xf32>
    %iota3A = tpu.iota {dimensions = array<i32: 0>} : vector<256x2048xi32>
    %lt3A = arith.constant 200 : i32
    %lt3A_14 = vector.broadcast %lt3A : i32 to vector<256x2048xi32>
    %lt3A_15 = arith.cmpi slt, %iota3A, %lt3A_14 : vector<256x2048xi32>
    %jit3A = arith.constant -3.000000e+38 : f32
    %broadcast_in_dim3A = vector.broadcast %jit3A : f32 to vector<256x2048xf32>
    %select_n3A = arith.select %lt3A_15, %dot_general3A_13, %broadcast_in_dim3A : vector<256x2048xi1>, vector<256x2048xf32>
    %broadcast_in_dim3A_16 = arith.constant 0.000000e+00 : f32
    %broadcast_in_dim3A_17 = vector.broadcast %broadcast_in_dim3A_16 : f32 to vector<256x2048xf32>
    %reduce_max3A = arith.constant dense<0xFF800000> : vector<2048xf32>
    %reduce_max3A_18 = vector.multi_reduction <maximumf>, %select_n3A, %reduce_max3A [0] : vector<256x2048xf32> to vector<2048xf32>
    %broadcast_in_dim3A_19 = vector.shape_cast %reduce_max3A_18 : vector<2048xf32> to vector<1x2048xf32>
    %eq3A_20 = vector.broadcast %broadcast_in_dim3A_19 : vector<1x2048xf32> to vector<256x2048xf32>
    %eq3A_21 = arith.cmpf oeq, %select_n3A, %eq3A_20 : vector<256x2048xf32>
    %jit3A_22 = arith.constant 256 : i32
    %broadcast_in_dim3A_23 = vector.broadcast %jit3A_22 : i32 to vector<256x2048xi32>
    %select_n3A_24 = arith.select %eq3A_21, %iota3A, %broadcast_in_dim3A_23 : vector<256x2048xi1>, vector<256x2048xi32>
    %reduce_min3A = arith.constant dense<2147483647> : vector<2048xi32>
    %reduce_min3A_25 = vector.multi_reduction <minsi>, %select_n3A_24, %reduce_min3A [0] : vector<256x2048xi32> to vector<2048xi32>
    %broadcast_in_dim3A_26 = vector.shape_cast %reduce_min3A_25 : vector<2048xi32> to vector<1x2048xi32>
    %eq3A_27 = vector.broadcast %broadcast_in_dim3A_26 : vector<1x2048xi32> to vector<256x2048xi32>
    %eq3A_28 = arith.cmpi eq, %iota3A, %eq3A_27 : vector<256x2048xi32>
    %convert_element_type3A_29 = arith.extui %eq3A_28 : vector<256x2048xi1> to vector<256x2048xi32>
    %convert_element_type3A_30 = arith.sitofp %convert_element_type3A_29 : vector<256x2048xi32> to vector<256x2048xf32>
    %add3A_31 = arith.addf %broadcast_in_dim3A_17, %convert_element_type3A_30 : vector<256x2048xf32>
    %jit3A_32 = arith.constant -3.000000e+38 : f32
    %broadcast_in_dim3A_33 = vector.broadcast %jit3A_32 : f32 to vector<256x2048xf32>
    %select_n3A_34 = arith.select %eq3A_28, %broadcast_in_dim3A_33, %select_n3A : vector<256x2048xi1>, vector<256x2048xf32>
    %reduce_max3A_35 = arith.constant dense<0xFF800000> : vector<2048xf32>
    %reduce_max3A_36 = vector.multi_reduction <maximumf>, %select_n3A_34, %reduce_max3A_35 [0] : vector<256x2048xf32> to vector<2048xf32>
    %broadcast_in_dim3A_37 = vector.shape_cast %reduce_max3A_36 : vector<2048xf32> to vector<1x2048xf32>
    %eq3A_38 = vector.broadcast %broadcast_in_dim3A_37 : vector<1x2048xf32> to vector<256x2048xf32>
    %eq3A_39 = arith.cmpf oeq, %select_n3A_34, %eq3A_38 : vector<256x2048xf32>
    %jit3A_40 = arith.constant 256 : i32
    %broadcast_in_dim3A_41 = vector.broadcast %jit3A_40 : i32 to vector<256x2048xi32>
    %select_n3A_42 = arith.select %eq3A_39, %iota3A, %broadcast_in_dim3A_41 : vector<256x2048xi1>, vector<256x2048xi32>
    %reduce_min3A_43 = arith.constant dense<2147483647> : vector<2048xi32>
    %reduce_min3A_44 = vector.multi_reduction <minsi>, %select_n3A_42, %reduce_min3A_43 [0] : vector<256x2048xi32> to vector<2048xi32>
    %broadcast_in_dim3A_45 = vector.shape_cast %reduce_min3A_44 : vector<2048xi32> to vector<1x2048xi32>
    %eq3A_46 = vector.broadcast %broadcast_in_dim3A_45 : vector<1x2048xi32> to vector<256x2048xi32>
    %eq3A_47 = arith.cmpi eq, %iota3A, %eq3A_46 : vector<256x2048xi32>
    %convert_element_type3A_48 = arith.extui %eq3A_47 : vector<256x2048xi1> to vector<256x2048xi32>
    %convert_element_type3A_49 = arith.sitofp %convert_element_type3A_48 : vector<256x2048xi32> to vector<256x2048xf32>
    %add3A_50 = arith.addf %add3A_31, %convert_element_type3A_49 : vector<256x2048xf32>
    %jit3A_51 = arith.constant -3.000000e+38 : f32
    %broadcast_in_dim3A_52 = vector.broadcast %jit3A_51 : f32 to vector<256x2048xf32>
    %select_n3A_53 = arith.select %eq3A_47, %broadcast_in_dim3A_52, %select_n3A_34 : vector<256x2048xi1>, vector<256x2048xf32>
    %reduce_max3A_54 = arith.constant dense<0xFF800000> : vector<2048xf32>
    %reduce_max3A_55 = vector.multi_reduction <maximumf>, %select_n3A_53, %reduce_max3A_54 [0] : vector<256x2048xf32> to vector<2048xf32>
    %broadcast_in_dim3A_56 = vector.shape_cast %reduce_max3A_55 : vector<2048xf32> to vector<1x2048xf32>
    %eq3A_57 = vector.broadcast %broadcast_in_dim3A_56 : vector<1x2048xf32> to vector<256x2048xf32>
    %eq3A_58 = arith.cmpf oeq, %select_n3A_53, %eq3A_57 : vector<256x2048xf32>
    %jit3A_59 = arith.constant 256 : i32
    %broadcast_in_dim3A_60 = vector.broadcast %jit3A_59 : i32 to vector<256x2048xi32>
    %select_n3A_61 = arith.select %eq3A_58, %iota3A, %broadcast_in_dim3A_60 : vector<256x2048xi1>, vector<256x2048xi32>
    %reduce_min3A_62 = arith.constant dense<2147483647> : vector<2048xi32>
    %reduce_min3A_63 = vector.multi_reduction <minsi>, %select_n3A_61, %reduce_min3A_62 [0] : vector<256x2048xi32> to vector<2048xi32>
    %broadcast_in_dim3A_64 = vector.shape_cast %reduce_min3A_63 : vector<2048xi32> to vector<1x2048xi32>
    %eq3A_65 = vector.broadcast %broadcast_in_dim3A_64 : vector<1x2048xi32> to vector<256x2048xi32>
    %eq3A_66 = arith.cmpi eq, %iota3A, %eq3A_65 : vector<256x2048xi32>
    %convert_element_type3A_67 = arith.extui %eq3A_66 : vector<256x2048xi1> to vector<256x2048xi32>
    %convert_element_type3A_68 = arith.sitofp %convert_element_type3A_67 : vector<256x2048xi32> to vector<256x2048xf32>
    %add3A_69 = arith.addf %add3A_50, %convert_element_type3A_68 : vector<256x2048xf32>
    %reduce_sum3A = arith.constant dense<0.000000e+00> : vector<256xf32>
    %reduce_sum3A_70 = vector.multi_reduction <add>, %add3A_69, %reduce_sum3A [1] : vector<256x2048xf32> to vector<256xf32>
    %broadcast_in_dim3A_71 = vector.shape_cast %reduce_sum3A_70 : vector<256xf32> to vector<256x1xf32>
    %eq3A_72 = arith.constant 0 : i32
    %eq3A_73 = arith.cmpi eq, %arg0, %eq3A_72 : i32
    %convert_element_type3A_74 = arith.extui %eq3A_73 : i1 to i32
    %cond3A_75 = arith.constant 0 : i32
    %cond3A_76 = arith.cmpi ne, %convert_element_type3A_74, %cond3A_75 : i32
    scf.if %cond3A_76 {
      %broadcast_in_dim3A_85 = arith.constant 0.000000e+00 : f32
      %broadcast_in_dim3A_86 = vector.broadcast %broadcast_in_dim3A_85 : f32 to vector<256x8xf32>
      %swap3A_87 = arith.constant 0 : index
      %swap3A_88 = arith.constant 0 : index
      %swap3A_89 = vector.load %arg5[%swap3A_87, %swap3A_88] : memref<256x8xf32, #tpu.memory_space<vmem>>, vector<256x8xf32>
      tpu.vector_store %arg5[%swap3A_87, %swap3A_88], %broadcast_in_dim3A_86 {strides = array<i32>} : memref<256x8xf32, #tpu.memory_space<vmem>>, vector<256x8xf32>,
    } else {
    }
    %get3A_77 = arith.constant 0 : index
    %get3A_78 = arith.constant 0 : index
    %get3A_79 = vector.load %arg5[%get3A_77, %get3A_78] : memref<256x8xf32, #tpu.memory_space<vmem>>, vector<256x8xf32>
    %broadcast_in_dim3A_80 = vector.shape_cast %broadcast_in_dim3A_71 : vector<256x1xf32> to vector<256x1xf32>
    %broadcast_in_dim3A_81 = vector.broadcast %broadcast_in_dim3A_80 : vector<256x1xf32> to vector<256x8xf32>
    %add3A_82 = arith.addf %get3A_79, %broadcast_in_dim3A_81 : vector<256x8xf32>
    %swap3A = arith.constant 0 : index
    %swap3A_83 = arith.constant 0 : index
    %swap3A_84 = vector.load %arg5[%swap3A, %swap3A_83] : memref<256x8xf32, #tpu.memory_space<vmem>>, vector<256x8xf32>
    tpu.vector_store %arg5[%swap3A, %swap3A_83], %add3A_82 {strides = array<i32>} : memref<256x8xf32, #tpu.memory_space<vmem>>, vector<256x8xf32>,
    return
  }
  func.func @transform_0(%arg0: i32) -> (i32, i32) {
    %c0_i32 = arith.constant 0 : i32
    %c0_i32_0 = arith.constant 0 : i32
    return %arg0, %c0_i32 : i32, i32
  }
  func.func @transform_1(%arg0: i32) -> (i32, i32) {
    %c0_i32 = arith.constant 0 : i32
    %c0_i32_0 = arith.constant 0 : i32
    return %arg0, %c0_i32 : i32, i32
  }
  func.func @transform_2(%arg0: i32) -> (i32, i32) {
    %c0_i32 = arith.constant 0 : i32
    %c0_i32_0 = arith.constant 0 : i32
    %c0_i32_1 = arith.constant 0 : i32
    return %c0_i32, %c0_i32_0 : i32, i32
  }
  func.func @transform_3(%arg0: i32) -> (i32, i32) {
    %c0_i32 = arith.constant 0 : i32
    %c0_i32_0 = arith.constant 0 : i32
    %c0_i32_1 = arith.constant 0 : i32
    return %c0_i32, %c0_i32_0 : i32, i32
  }
  func.func @transform_4(%arg0: i32) -> (i32, i32) {
    %c0_i32 = arith.constant 0 : i32
    %c0_i32_0 = arith.constant 0 : i32
    %c0_i32_1 = arith.constant 0 : i32
    return %c0_i32, %c0_i32_0 : i32, i32
  }
}

module attributes {stable_mosaic.version = 14 : i64} {
  func.func @_tail_body(%arg0: memref<256x8xf32, #tpu.memory_space<vmem>>, %arg1: memref<200x1024xf32, #tpu.memory_space<vmem>>, %arg2: memref<1024x1024xf32, #tpu.memory_space<vmem>>, %arg3: memref<200x1024xf32, #tpu.memory_space<vmem>>, %arg4: memref<256x8xi32, #tpu.memory_space<vmem>>, %arg5: memref<256x8xf32, #tpu.memory_space<vmem>>) attributes {dimension_semantics = [], scalar_prefetch = 0 : i64, scratch_operands = 0 : i64, tpu.core_type = #tpu.core_type<tc>} {
    %get3A = arith.constant 0 : index
    %get3A_0 = arith.constant 0 : index
    %get3A_1 = vector.load %arg1[%get3A, %get3A_0] : memref<200x1024xf32, #tpu.memory_space<vmem>>, vector<200x1024xf32>
    %get3A_2 = arith.constant 0 : index
    %get3A_3 = arith.constant 0 : index
    %get3A_4 = vector.load %arg2[%get3A_2, %get3A_3] : memref<1024x1024xf32, #tpu.memory_space<vmem>>, vector<1024x1024xf32>
    %dot_general3A = arith.constant dense<0.000000e+00> : vector<200x1024xf32>
    %dot_general3A_5 = tpu.matmul %get3A_1, %get3A_4, %dot_general3A {dimension_numbers = #tpu.dot_dimension_numbers<[1], [0], [0], [1], [0, 0, 1, 1], [], []>, transpose_lhs_hint = false} : vector<200x1024xf32>, vector<1024x1024xf32>, vector<200x1024xf32> -> vector<200x1024xf32>
    %swap3A = arith.constant 0 : index
    %swap3A_6 = arith.constant 0 : index
    %swap3A_7 = vector.load %arg3[%swap3A, %swap3A_6] : memref<200x1024xf32, #tpu.memory_space<vmem>>, vector<200x1024xf32>
    tpu.vector_store %arg3[%swap3A, %swap3A_6], %dot_general3A_5 {strides = array<i32>} : memref<200x1024xf32, #tpu.memory_space<vmem>>, vector<200x1024xf32>,
    %get3A_8 = arith.constant 0 : index
    %get3A_9 = arith.constant 0 : index
    %get3A_10 = vector.load %arg0[%get3A_8, %get3A_9] : memref<256x8xf32, #tpu.memory_space<vmem>>, vector<256x8xf32>
    %slice3A = vector.extract_strided_slice %get3A_10 {offsets = [0, 0], sizes = [256, 1], strides = [1, 1]} : vector<256x8xf32> to vector<256x1xf32>
    %iota3A = tpu.iota {dimensions = array<i32: 0>} : vector<256x256xi32>
    %iota3A_11 = tpu.iota {dimensions = array<i32: 1>} : vector<256x256xi32>
    %eq3A = arith.cmpi eq, %iota3A, %iota3A_11 : vector<256x256xi32>
    %broadcast_in_dim3A = vector.shape_cast %slice3A : vector<256x1xf32> to vector<256x1xf32>
    %broadcast_in_dim3A_12 = vector.broadcast %broadcast_in_dim3A : vector<256x1xf32> to vector<256x256xf32>
    %jit3A = arith.constant 0.000000e+00 : f32
    %broadcast_in_dim3A_13 = vector.broadcast %jit3A : f32 to vector<256x256xf32>
    %select_n3A = arith.select %eq3A, %broadcast_in_dim3A_12, %broadcast_in_dim3A_13 : vector<256x256xi1>, vector<256x256xf32>
    %broadcast_in_dim3A_14 = arith.constant 1.000000e+00 : f32
    %broadcast_in_dim3A_15 = vector.broadcast %broadcast_in_dim3A_14 : f32 to vector<1x256xf32>
    %dot_general3A_16 = arith.constant dense<0.000000e+00> : vector<1x256xf32>
    %dot_general3A_17 = tpu.matmul %broadcast_in_dim3A_15, %select_n3A, %dot_general3A_16 {dimension_numbers = #tpu.dot_dimension_numbers<[1], [0], [0], [1], [0, 0, 1, 1], [], []>, precision = #tpu.contract_precision<fp32>, transpose_lhs_hint = false} : vector<1x256xf32>, vector<256x256xf32>, vector<1x256xf32> -> vector<1x256xf32>
    %iota3A_18 = tpu.iota {dimensions = array<i32: 0>} : vector<256x1xi32>
    %iota3A_19 = tpu.iota {dimensions = array<i32: 1>} : vector<1x256xi32>
    %lt3A = arith.constant 200 : i32
    %lt3A_20 = vector.broadcast %lt3A : i32 to vector<256x1xi32>
    %lt3A_21 = arith.cmpi slt, %iota3A_18, %lt3A_20 : vector<256x1xi32>
    %convert_element_type3A = arith.fptosi %slice3A : vector<256x1xf32> to vector<256x1xi32>
    %mul3A = arith.constant 256 : i32
    %mul3A_22 = vector.broadcast %mul3A : i32 to vector<256x1xi32>
    %mul3A_23 = arith.muli %convert_element_type3A, %mul3A_22 : vector<256x1xi32>
    %sub3A = arith.constant 255 : i32
    %sub3A_24 = vector.broadcast %sub3A : i32 to vector<256x1xi32>
    %sub3A_25 = arith.subi %sub3A_24, %iota3A_18 : vector<256x1xi32>
    %add3A = arith.addi %mul3A_23, %sub3A_25 : vector<256x1xi32>
    %sub3A_26 = arith.constant -1 : i32
    %sub3A_27 = vector.broadcast %sub3A_26 : i32 to vector<256x1xi32>
    %sub3A_28 = arith.subi %sub3A_27, %iota3A_18 : vector<256x1xi32>
    %select_n3A_29 = arith.select %lt3A_21, %add3A, %sub3A_28 : vector<256x1xi1>, vector<256x1xi32>
    %lt3A_30 = arith.constant 200 : i32
    %lt3A_31 = vector.broadcast %lt3A_30 : i32 to vector<1x256xi32>
    %lt3A_32 = arith.cmpi slt, %iota3A_19, %lt3A_31 : vector<1x256xi32>
    %convert_element_type3A_33 = arith.fptosi %dot_general3A_17 : vector<1x256xf32> to vector<1x256xi32>
    %mul3A_34 = arith.constant 256 : i32
    %mul3A_35 = vector.broadcast %mul3A_34 : i32 to vector<1x256xi32>
    %mul3A_36 = arith.muli %convert_element_type3A_33, %mul3A_35 : vector<1x256xi32>
    %sub3A_37 = arith.constant 255 : i32
    %sub3A_38 = vector.broadcast %sub3A_37 : i32 to vector<1x256xi32>
    %sub3A_39 = arith.subi %sub3A_38, %iota3A_19 : vector<1x256xi32>
    %add3A_40 = arith.addi %mul3A_36, %sub3A_39 : vector<1x256xi32>
    %sub3A_41 = arith.constant -1 : i32
    %sub3A_42 = vector.broadcast %sub3A_41 : i32 to vector<1x256xi32>
    %sub3A_43 = arith.subi %sub3A_42, %iota3A_19 : vector<1x256xi32>
    %select_n3A_44 = arith.select %lt3A_32, %add3A_40, %sub3A_43 : vector<1x256xi1>, vector<1x256xi32>
    %gt3A = vector.broadcast %select_n3A_29 : vector<256x1xi32> to vector<256x256xi32>
    %gt3A_45 = vector.broadcast %select_n3A_44 : vector<1x256xi32> to vector<256x256xi32>
    %gt3A_46 = arith.cmpi sgt, %gt3A, %gt3A_45 : vector<256x256xi32>
    %convert_element_type3A_47 = arith.extui %gt3A_46 : vector<256x256xi1> to vector<256x256xi32>
    %convert_element_type3A_48 = arith.sitofp %convert_element_type3A_47 : vector<256x256xi32> to vector<256x256xf32>
    %reduce_sum3A = arith.constant dense<0.000000e+00> : vector<256xf32>
    %reduce_sum3A_49 = vector.multi_reduction <add>, %convert_element_type3A_48, %reduce_sum3A [0] : vector<256x256xf32> to vector<256xf32>
    %broadcast_in_dim3A_50 = vector.shape_cast %reduce_sum3A_49 : vector<256xf32> to vector<1x256xf32>
    %convert_element_type3A_51 = arith.fptosi %broadcast_in_dim3A_50 : vector<1x256xf32> to vector<1x256xi32>
    %broadcast_in_dim3A_52 = vector.shape_cast %convert_element_type3A_51 : vector<1x256xi32> to vector<1x256xi32>
    %broadcast_in_dim3A_53 = vector.broadcast %broadcast_in_dim3A_52 : vector<1x256xi32> to vector<256x256xi32>
    %eq3A_54 = arith.cmpi eq, %broadcast_in_dim3A_53, %iota3A : vector<256x256xi32>
    %convert_element_type3A_55 = arith.extui %eq3A_54 : vector<256x256xi1> to vector<256x256xi32>
    %convert_element_type3A_56 = arith.sitofp %convert_element_type3A_55 : vector<256x256xi32> to vector<256x256xf32>
    %convert_element_type3A_57 = arith.sitofp %iota3A_11 : vector<256x256xi32> to vector<256x256xf32>
    %mul3A_58 = arith.mulf %convert_element_type3A_56, %convert_element_type3A_57 : vector<256x256xf32>
    %reduce_sum3A_59 = arith.constant dense<0.000000e+00> : vector<256xf32>
    %reduce_sum3A_60 = vector.multi_reduction <add>, %mul3A_58, %reduce_sum3A_59 [1] : vector<256x256xf32> to vector<256xf32>
    %broadcast_in_dim3A_61 = vector.shape_cast %reduce_sum3A_60 : vector<256xf32> to vector<256x1xf32>
    %convert_element_type3A_62 = arith.fptosi %broadcast_in_dim3A_61 : vector<256x1xf32> to vector<256x1xi32>
    %min3A = arith.constant 199 : i32
    %min3A_63 = vector.broadcast %min3A : i32 to vector<256x1xi32>
    %min3A_64 = arith.minsi %convert_element_type3A_62, %min3A_63 : vector<256x1xi32>
    %div3A = arith.constant 4.915200e+04 : f32
    %div3A_65 = vector.broadcast %div3A : f32 to vector<1x256xf32>
    %div3A_66 = arith.divf %dot_general3A_17, %div3A_65 : vector<1x256xf32>
    %mul3A_67 = vector.broadcast %div3A_66 : vector<1x256xf32> to vector<256x256xf32>
    %mul3A_68 = arith.mulf %convert_element_type3A_56, %mul3A_67 : vector<256x256xf32>
    %reduce_sum3A_69 = arith.constant dense<0.000000e+00> : vector<256xf32>
    %reduce_sum3A_70 = vector.multi_reduction <add>, %mul3A_68, %reduce_sum3A_69 [1] : vector<256x256xf32> to vector<256xf32>
    %broadcast_in_dim3A_71 = vector.shape_cast %reduce_sum3A_70 : vector<256xf32> to vector<256x1xf32>
    %broadcast_in_dim3A_72 = vector.shape_cast %min3A_64 : vector<256x1xi32> to vector<256x1xi32>
    %broadcast_in_dim3A_73 = vector.broadcast %broadcast_in_dim3A_72 : vector<256x1xi32> to vector<256x8xi32>
    %swap3A_74 = arith.constant 0 : index
    %swap3A_75 = arith.constant 0 : index
    %swap3A_76 = vector.load %arg4[%swap3A_74, %swap3A_75] : memref<256x8xi32, #tpu.memory_space<vmem>>, vector<256x8xi32>
    tpu.vector_store %arg4[%swap3A_74, %swap3A_75], %broadcast_in_dim3A_73 {strides = array<i32>} : memref<256x8xi32, #tpu.memory_space<vmem>>, vector<256x8xi32>,
    %broadcast_in_dim3A_77 = vector.shape_cast %broadcast_in_dim3A_71 : vector<256x1xf32> to vector<256x1xf32>
    %broadcast_in_dim3A_78 = vector.broadcast %broadcast_in_dim3A_77 : vector<256x1xf32> to vector<256x8xf32>
    %swap3A_79 = arith.constant 0 : index
    %swap3A_80 = arith.constant 0 : index
    %swap3A_81 = vector.load %arg5[%swap3A_79, %swap3A_80] : memref<256x8xf32, #tpu.memory_space<vmem>>, vector<256x8xf32>
    tpu.vector_store %arg5[%swap3A_79, %swap3A_80], %broadcast_in_dim3A_78 {strides = array<i32>} : memref<256x8xf32, #tpu.memory_space<vmem>>, vector<256x8xf32>,
    return
  }
}

</mosaic_0001>

<sc_bundles>
// kernel: kernel.5.cloned.1.call-start
scs
__scs_entry_jumppad:
0x0: {  	(pc) =	sbr.rel $0x88, $3  }
0x1: {  	(tag) =	ssettag $0x0;
	lr =	simm.s32 $0x1  }
0x2: {  	[smem:$0x3F9E] =	sst lr;
	_ =	strace $0xD0000000  }
0x3: {  	_ = 	snop  }
0x4: {  	_ = 	snop  }
0x5: {  	_ = 	snop  }
0x6: {  	_ = 	snop  }
0x7: {  	_ = 	snop  }
__scs_overlays_trampoline_lowered:
0x8: {  	[smem:$0x3FAD] =	sst s0  }
0x9: {  	[smem:$0x3FAE] =	sst s1  }
0xa: {  	[smem:$0x3FAF] =	sst s2  }
0xb: {  	[smem:$0x3FB0] =	sst s3  }
0xc: {  	[smem:$0x3FB1] =	sst s4  }
0xd: {  	[smem:$0x3FB2] =	sst s5  }
0xe: {  	[smem:$0x3FB3] =	sst s6  }
0xf: {  	[smem:$0x3FB4] =	sst s7  }
0x10: {  	[smem:$0x3FB5] =	sst s8  }
0x11: {  	[smem:$0x3FB6] =	sst s9;
	s0 =	simm.s32 @!p0 $0x0  }
0x12: {  	s1 =	sld [smem:$0x3F9C];
	s0 =	simm.s32 @p0 $0x1  }
0x13: {  	[smem:$0x3FB7] =	sst s0;
	s0 =	simm.s32 @!p1 $0x0  }
0x14: {  	s2 =	sld [smem:$0x3F9B];
	s0 =	simm.s32 @p1 $0x1  }
0x15: {  	[smem:$0x3FB8] =	sst s0;
	s0 =	simm.s32 @!p2 $0x0  }
0x16: {  	s3 =	sld [smem:$0x3FDB];
	s0 =	simm.s32 @p2 $0x1  }
0x17: {  	s4 =	simm.s32 $0x1BF5;
	[smem:$0x3FBA] =	sst s0  }
0x18: {  	s0 =	sld [smem:$0x3F9D];
	_ =	swait.ge [sflag:s4], $0x0  }
0x19: {  	s7 =	sld [smem:$0x3F9E]  }
0x1a: {  	s8 =	sadd.s32 $0xFFFFE003, lr  }
0x1b: {  	s9 =	sadd.s32 $0xFFFFFEF7, lr;
	s5 =	simm.s32 $0xFFFFFFFF;
	p2 =	slt.u32 s8, $0xFFFFF086  }
0x1c: {  	p1 =	slt.u32 s9, $0xF7A;
	s5 =	simm.s32 @!p2 $0x0  }
0x1d: {  	s5 =	simm.s32 @p1 $0x1;
	p0 =	seq.s32 s7, s2  }
0x1e: {  	s7 =	smul.u32 @!p0 $0xF7A, s2;
	p2 =	seq.s32 @!p0 s5, $0x0  }
0x1f: {  	s9 =	smul.u32 $0xF7A, s1;
	s8 =	simm.s32 @!p0 $0x1BF5;
	p2 =	por !p2, p0  }
0x20: {  	[sflag:s8] =	ssyncset.s32 @!p0 $0xFFFFF086;
	s6 =	sadd.s32 @!p0 s3, s7;
	s7 =	simm.s32 @!p0 $0x108  }
0x21: {  	s3 =	sadd.s32 s3, s9;
	s6 =	sadd.s32 @!p0 $0x88, s6;
	s7 =	simm.s32 @p2 $0x1082  }
0x22: {  	[simem:s7], [sflag:s8] =	dma.local @!p0 [hbm:s6], $0xF7A  }
0x23: {  	s9 =	sor.u32 $0xD0000000, s2;
	s6 =	simm.s32 $0x108;
	_ =	swait.ge @!p0 [sflag:s8], $0x0  }
0x24: {  	s3 =	sadd.s32 $0x88, s3;
	s6 =	simm.s32 @!p1 $0x1082;
	[sflag:s4] =	ssyncset.s32 $0xFFFFF086  }
0x25: {  	[simem:s6], [sflag:s4] =	dma.local [hbm:s3], $0xF7A  }
0x26: {  	[smem:$0x3F9E] =	sst s1;
	(tag) =	ssettag s2;
	_ =	strace s9  }
0x27: {  	s1 =	sld [smem:$0x3FAE]  }
0x28: {  	s2 =	sld [smem:$0x3FAF]  }
0x29: {  	s4 =	sld [smem:$0x3FB1]  }
0x2a: {  	p0 =	seq.s32 s5, $0x0;
	s5 =	sld [smem:$0x3FB2]  }
0x2b: {  	s6 =	sld [smem:$0x3FB3]  }
0x2c: {  	s7 =	sld [smem:$0x3FB4]  }
0x2d: {  	s3 =	simm.s32 $0x108;
	s8 =	sld [smem:$0x3FB5]  }
0x2e: {  	s3 =	simm.s32 @!p0 $0x1082;
	s9 =	sld [smem:$0x3FB6]  }
0x2f: {  	lr =	sadd.s32 s0, s3;
	s0 =	sld [smem:$0x3FAD]  }
0x30: {  	s3 =	sld [smem:$0x3FB0]  }
0x31: {  	[smem:$0x3FB9] =	sst s10  }
0x32: {  	s10 =	sld [smem:$0x3FB7];
	_ =	sdelay $0x3  }
0x33: {  	p0 =	seq.s32 s10, $0x1;
	s10 =	sld [smem:$0x3FB9];
	_ =	sdelay $0x3  }
0x34: {  	[smem:$0x3FB9] =	sst s10  }
0x35: {  	s10 =	sld [smem:$0x3FB8];
	_ =	sdelay $0x3  }
0x36: {  	p1 =	seq.s32 s10, $0x1;
	s10 =	sld [smem:$0x3FB9];
	_ =	sdelay $0x3  }
0x37: {  	[smem:$0x3FB9] =	sst s10  }
0x38: {  	s10 =	sld [smem:$0x3FBA]  }
0x39: {  	_ = 	snop;
	(pc) =	sbr.ind lr, $3  }
0x3a: {  	_ = 	snop  }
0x3b: {  	_ = 	snop  }
0x3c: {  	p2 =	seq.s32 s10, $0x1;
	s10 =	sld [smem:$0x3FB9]  }
0x3d: {  	_ =	shalt  }
0x3e: {  	_ =	shalt  }
0x3f: {  	_ =	shalt  }
0x40: {  	_ =	shalt  }
0x41: {  	_ =	shalt  }
0x42: {  	_ =	shalt  }
0x43: {  	_ =	shalt  }
0x44: {  	_ =	shalt  }
0x45: {  	_ =	shalt  }
0x46: {  	_ =	shalt  }
0x47: {  	_ =	shalt  }
0x48: {  	_ =	shalt  }
0x49: {  	_ =	shalt  }
0x4a: {  	_ =	shalt  }
0x4b: {  	_ =	shalt  }
0x4c: {  	_ =	shalt  }
0x4d: {  	_ =	shalt  }
0x4e: {  	_ =	shalt  }
0x4f: {  	_ =	shalt  }
0x50: {  	_ =	shalt  }
0x51: {  	_ =	shalt  }
0x52: {  	_ =	shalt  }
0x53: {  	_ =	shalt  }
0x54: {  	_ =	shalt  }
0x55: {  	_ =	shalt  }
0x56: {  	_ =	shalt  }
0x57: {  	_ =	shalt  }
0x58: {  	_ =	shalt  }
0x59: {  	_ =	shalt  }
0x5a: {  	_ =	shalt  }
0x5b: {  	_ =	shalt  }
0x5c: {  	_ =	shalt  }
0x5d: {  	_ =	shalt  }
0x5e: {  	_ =	shalt  }
0x5f: {  	_ =	shalt  }
0x60: {  	_ =	shalt  }
0x61: {  	_ =	shalt  }
0x62: {  	_ =	shalt  }
0x63: {  	_ =	shalt  }
0x64: {  	_ =	shalt  }
0x65: {  	_ =	shalt  }
0x66: {  	_ =	shalt  }
0x67: {  	_ =	shalt  }
0x68: {  	_ =	shalt  }
0x69: {  	_ =	shalt  }
0x6a: {  	_ =	shalt  }
0x6b: {  	_ =	shalt  }
0x6c: {  	_ =	shalt  }
0x6d: {  	_ =	shalt  }
0x6e: {  	_ =	shalt  }
0x6f: {  	_ =	shalt  }
0x70: {  	_ =	shalt  }
0x71: {  	_ =	shalt  }
0x72: {  	_ =	shalt  }
0x73: {  	_ =	shalt  }
0x74: {  	_ =	shalt  }
0x75: {  	_ =	shalt  }
0x76: {  	_ =	shalt  }
0x77: {  	_ =	shalt  }
0x78: {  	_ =	shalt  }
0x79: {  	_ =	shalt  }
0x7a: {  	_ =	shalt  }
0x7b: {  	_ =	shalt  }
0x7c: {  	_ =	shalt  }
0x7d: {  	_ =	shalt  }
0x7e: {  	_ =	shalt  }
0x7f: {  	_ =	shalt  }
0x80: {  	_ =	shalt  }
0x81: {  	_ =	shalt  }
0x82: {  	_ =	shalt  }
0x83: {  	_ =	shalt  }
0x84: {  	_ =	shalt  }
0x85: {  	_ =	shalt  }
0x86: {  	_ =	shalt  }
0x87: {  	_ =	shalt  }
.Lfunc_end0:
.L_simem_size_0:
called_computation_lowered:
.L_overlay_start_0:
0x88: {  	s2 =	sld [smem:$0x3FD9]  }
0x89: {  	s3 =	sld [smem:$0x3FFE];
	_ =	sdelay $0x1  }
0x8a: {  	s1 =	srdreg.scid  }
0x8b: {  	s0 =	sand.u32 $0x1, s1  }
0x8c: {  	s17 =	sshll.u32 s0, $0xA;
	s2 =	sadd.s32 s3, s2  }
0x8d: {  	s2 =	sadd.s32 s2, s17  }
0x8e: {  	[smem:$0x3FC5] =	sst s2  }
0x8f: {  	_ = 	snop  }
0x90: {  	s2 =	sld [smem:$0x3FC8]  }
0x91: {  	s18 =	sld [smem:$0x3FD0];
	(tm) =	ssettm $0x1  }
0x92: {  	s4 =	sld [smem:$0x3FFB];
	_ =	sdelay $0x3  }
0x93: {  	_ =	strace s4  }
0x94: {  	s4 =	sld [smem:$0x3FFC];
	_ =	sdelay $0x3  }
0x95: {  	_ =	strace s4  }
0x96: {  	s4 =	sld [smem:$0x3FFD];
	_ =	sdelay $0x3  }
0x97: {  	_ =	strace s4  }
0x98: {  	_ =	strace $0x8FFFFFFF  }
0x99: {  	s19 =	sld [smem:$0x3FDB];
	_ =	sdelay $0x1  }
0x9a: {  	s5 =	simm.s32 $_scs_section_size  }
0x9b: {  	s6 =	simm.s32 $_size__tile_overlayer_lowered;
	s7 =	simm.s32 $_tile_overlayer_lowered  }
0x9c: {  	s22 =	simm.s32 $0x1BFF;
	s21 =	sshll.u32 s7, $0x1;
	s4 =	sadd.s32 s5, s19  }
0x9d: {  	s8 =	simm.s32 $0x0;
	s20 =	sshll.u32 s6, $0x1;
	s6 =	sadd.s32 s21, s4  }
0x9e: {  	[timem:s8], [sflag:s22] =	dma.local [hbm:s6], s20  }
0x9f: {  	_ =	swait.ge [sflag:s22], s20  }
0xa0: {  	s5 =	ssub.s32 $0x0, s20;
	[sflag:s22] =	ssyncset.done $0x0  }
0xa1: {  	[sflag:s22] =	ssyncadd.s32 s5;
	_ =	sdelay $0x1  }
0xa2: {  	s23 =	simm.s32 $0x1B8B  }
0xa3: {  	_ =	swait.ge [sflag:s23], $0x1  }
0xa4: {  	[sflag:s23] =	ssyncset.done $0x0  }
0xa5: {  	s25 =	simm.s32 $0x1B8E;
	s24 =	sld [smem:$0x3FFE];
	[sflag:s23] =	ssyncadd.s32 $0xFFFFFFFF  }
0xa6: {  	s26 =	simm.s32 $execute0_lowered;
	[smem:$0x3FD2] =	sst s25  }
0xa7: {  	s6 =	sshll.u32 s26, $0x1;
	_ =	strace $0x80000046;
	[dreg:$0x1] =	wrdreg $0xFFFFFFFF  }
0xa8: {  	s28 =	simm.s32 $_size_execute0_lowered;
	s4 =	sadd.s32 s4, s6;
	[dreg:$0x0] =	wrdreg $0x0  }
0xa9: {  	s6 =	sshll.u32 s28, $0x1;
	[dreg:$0x2] =	wrdreg s4  }
0xaa: {  	[dreg:$0x3] =	wrdreg s6  }
0xab: {  	[dreg:$0x4] =	wrdreg $0xC0  }
0xac: {  	_ =	task [dreg:s8], $0x5FFFF  }
0xad: {  	[dreg:$0x1] =	wrdreg $0xFFFFFFFF  }
0xae: {  	[dreg:$0x0] =	wrdreg $0x60  }
0xaf: {  	[dreg:$0x2] =	wrdreg s24  }
0xb0: {  	[dreg:$0x3] =	wrdreg s2  }
0xb1: {  	[dreg:$0x4] =	wrdreg s18  }
0xb2: {  	[dreg:$0x5] =	wrdreg $0x9  }
0xb3: {  	_ =	task.clear_ibuf [dreg:s8], $0x6FFFF;
	_ =	strace $0x90000046  }
0xb4: {  	s29 =	simm.s32 $0x9;
	_ =	strace $0x80000048  }
0xb5: {  	_ =	swait.ge [sflag:s29], $0x1  }
0xb6: {  	[sflag:s29] =	ssyncadd.s32 $0xFFFFFFFF  }
0xb7: {  	_ =	strace $0x90000048  }
0xb8: {  	_ =	sfence  }
0xb9: {  	s30 =	sld [smem:$0x0];
	_ =	sdelay $0x2  }
0xba: {  	s31 =	sshll.u32 s1, $0xD;
	s1 =	sshrl.u32 s1, $0x2  }
0xbb: {  	s3 =	sand.u32 $0x4000, s31;
	s1 =	sadd.s32 s1, s30  }
0xbc: {  	s0 =	sor.u32 s3, s0;
	s1 =	sshll.u32 s1, $0x11  }
0xbd: {  	s0 =	sor.u32 s1, s0  }
0xbe: {  	s0 =	sadd.s32 $0x8F2B, s0  }
0xbf: {  	[sflag:s0] =	ssyncadd.remote.s32 $0x1  }
0xc0: {  	_ =	sfence.sel $0xFFFF  }
0xc1: {  	[dreg:$0x0] =	wrdreg $0xFFFFFFFF;
	(pc) =	sbr.abs _section_cstart, $3  }
0xc2: {  	[dreg:$0x1] =	wrdreg $0xFFFFFFFF  }
0xc3: {  	_ =	task.clear_ibuf [dreg:s8], $0x2FFFF;
	_ =	strace $0x9FFFFFFF  }
0xc4: {  	(tm) =	ssettm $0x7FFFFFFF  }
0xc5: {  	_ =	shalt  }
tec
execute0_lowered:
.L_overlay_start_1:
0x0: {  	(tag) =	ssettag $0x1  }
0x1: {  	s2 =	srdreg.scid;
	s0 =	stileid.u32  }
0x2: {  	s9 =	sand.u32 $0x1, s2;
	s5 =	sshll.u32 s0, $0x1  }
0x3: {  	s13 =	sor.u32 s9, s5  }
0x4: {  	p0 =	sgt.u32 s13, $0x18  }
.Ltmp0:
0x5: {  	s1 =	rddreg [dreg:$0x0];
	(pc) =	sbr.rel @p0 .LBB2_3-.Ltmp0, $4  }
0x6: {  	s3 =	rddreg [dreg:$0x1]  }
0x7: {  	s10 =	rddreg [dreg:$0x2];
	s4 =	simm.s32 $0x0  }
0x8: {  	[smem:$0x7FF] =	sst s4  }
0x9: {  	s2 =	rddreg [dreg:$0x3];
	_ =	strace $0x80000047  }
0xa: {  	s14 =	sadd.s32 $0x6400, s1  }
0xb: {  	s5 =	sadd.s32 $0x100, s3;
	s6 =	sadd.s32 $0x200, s3;
	s7 =	sadd.s32 $0x300, s3  }
0xc: {  	s8 =	sadd.s32 $0x100, s1;
	s11 =	sshll.u32 s13, $0xB;
	s15 =	ssub.s32 $0x2, s9  }
0xd: {  	s9 =	sadd.s32 $0x200, s1;
	s17 =	simm.s32 $0x880;
	s18 =	simm.s32 $0x1080  }
0xe: {  	s19 =	simm.s32 $0x1880;
	s20 =	simm.s32 $0x2080;
	s21 =	simm.s32 $0x2880  }
0xf: {  	s22 =	simm.s32 $0x3080;
	s23 =	simm.s32 $0x3880;
	s24 =	simm.s32 $0x1  }
0x10: {  	v0 =	vlaneseq.u32;
	s10 =	sadd.s32 s10, s11;
	s16 =	sshrl.u32 s15, $0x1;
	s11 =	sadd.s32 $0x300, s1  }
0x11: {  	s13 =	sadd.s32 s14, s13;
	v1 =	vshrl.u32 v0, $0x3;
	s12 =	sadd.s32 $0x400, s10;
	s15 =	ssub.s32 s15, s16  }
0x12: {  	vm0 =	vmmov $0xffff;
	v0 =	vand.u32 $0x7, v0;
	s16 =	simm.s32 $0x80;
	v1 =	vmul.u32 $0x8, v1;
	s14 =	smax.u32 s15, $0x1;
	s15 =	simm.s32 $0x2  }
.LBB2_2:
0x13: {  	[tilespmem:s4], [sflag:$0x2] =	stream.linear.gather [hbm4b:s13+s4], $0x8, $0x38;
	[tilespmem:$0x4080] =	vst v63  }
0x14: {  	_ =	swait.ge [sflag:s15], $0x8  }
0x15: {  	[sflag:s15] =	ssyncset.done $0x0  }
0x16: {  	[sflag:s15] =	ssyncadd.s32 $0xFFFFFFF8  }
0x17: {  	v2 =	vld.msk [tilespmem:$0x0], $0xff;
	_ =	sdelay $0x4  }
0x18: {  	v3 =	vshll.u32 v2, $0x3  }
0x19: {  	v2 =	vand.u32 $0x7, v2;
	v3 =	vand.u32 $0xFFFFFFC0, v3  }
0x1a: {  	v2 =	vor.u32 v2, v3  }
0x1b: {  	v2 =	vperm.xlane v2, v0;
	_ =	sdelay $0x1  }
0x1c: {  	v2 =	vadd.s32 v1, v2;
	_ =	sdelay $0x4  }
0x1d: {  	[tilespmem:s16], [sflag:$0x1] =	stream.indirect_vreg.gather [hbm4b:s3+s4], $0x80, v2, vm0, $0xb8;
	[tilespmem:$0x4080] =	vst v63  }
0x1e: {  	_ = 	snop  }
0x1f: {  	[tilespmem:s17], [sflag:$0x1] =	stream.indirect_vreg.gather [hbm4b:s5+s4], $0x80, v2, vm0, $0xb8;
	[tilespmem:$0x4080] =	vst v63  }
0x20: {  	_ = 	snop  }
0x21: {  	[tilespmem:s18], [sflag:$0x1] =	stream.indirect_vreg.gather [hbm4b:s6+s4], $0x80, v2, vm0, $0xb8;
	[tilespmem:$0x4080] =	vst v63  }
0x22: {  	_ = 	snop  }
0x23: {  	[tilespmem:s19], [sflag:$0x1] =	stream.indirect_vreg.gather [hbm4b:s7+s4], $0x80, v2, vm0, $0xb8;
	[tilespmem:$0x4080] =	vst v63  }
0x24: {  	v2 =	vld.msk [tilespmem:$0x0], $0xff;
	_ =	sdelay $0x4  }
0x25: {  	v3 =	vshll.u32 v2, $0x3  }
0x26: {  	v2 =	vand.u32 $0x7, v2;
	v3 =	vand.u32 $0xFFFFFFC0, v3  }
0x27: {  	v2 =	vor.u32 v2, v3  }
0x28: {  	v2 =	vperm.xlane v2, v0;
	_ =	sdelay $0x1  }
0x29: {  	v2 =	vadd.s32 v1, v2;
	_ =	sdelay $0x4  }
0x2a: {  	[tilespmem:s20], [sflag:$0x1] =	stream.indirect_vreg.gather [hbm4b:s1+s4], $0x80, v2, vm0, $0xb8;
	[tilespmem:$0x4080] =	vst v63  }
0x2b: {  	_ = 	snop  }
0x2c: {  	[tilespmem:s21], [sflag:$0x1] =	stream.indirect_vreg.gather [hbm4b:s8+s4], $0x80, v2, vm0, $0xb8;
	[tilespmem:$0x4080] =	vst v63  }
0x2d: {  	_ = 	snop  }
0x2e: {  	[tilespmem:s22], [sflag:$0x1] =	stream.indirect_vreg.gather [hbm4b:s9+s4], $0x80, v2, vm0, $0xb8;
	[tilespmem:$0x4080] =	vst v63  }
0x2f: {  	_ = 	snop  }
0x30: {  	[tilespmem:s23], [sflag:$0x1] =	stream.indirect_vreg.gather [hbm4b:s11+s4], $0x80, v2, vm0, $0xb8;
	[tilespmem:$0x4080] =	vst v63  }
0x31: {  	_ =	swait.ge [sflag:s24], $0x2000  }
0x32: {  	[sflag:s24] =	ssyncset.done $0x0  }
0x33: {  	[sflag:s24] =	ssyncadd.s32 $0xFFFFE000  }
0x34: {  	_ =	swait.ge [sflag:s24], $0x2000  }
0x35: {  	[sflag:s24] =	ssyncset.done $0x0  }
0x36: {  	[sflag:s24] =	ssyncadd.s32 $0xFFFFE000  }
0x37: {  	[hbm4b:s10+s4] =	stream.linear.scatter [tilespmem:s16], [sflag:$0x2], $0x2000, $0x38;
	[tilespmem:$0x4080] =	vst v63  }
0x38: {  	_ =	swait.ge [sflag:s15], $0x2000  }
0x39: {  	p0 =	sne.s32 s14, $0x1;
	[sflag:s15] =	ssyncset.done $0x0  }
.Ltmp1:
0x3a: {  	[sflag:s15] =	ssyncadd.s32 $0xFFFFE000;
	(pc) =	sbr.rel @p0 .LBB2_2-.Ltmp1, $4  }
0x3b: {  	[hbm4b:s12+s4] =	stream.linear.scatter [tilespmem:s20], [sflag:$0x2], $0x2000, $0x38;
	[tilespmem:$0x4080] =	vst v63  }
0x3c: {  	_ =	swait.ge [sflag:s15], $0x2000  }
0x3d: {  	[sflag:s15] =	ssyncset.done $0x0  }
0x3e: {  	s14 =	sadd.s32 $0xFFFFFFFF, s14;
	[sflag:s15] =	ssyncadd.s32 $0xFFFFE000  }
.LBB2_3:
0x3f: {  	_ =	sfence.sel $0x180000  }
0x40: {  	[bflag:$0x0] =	sbarrier.arrive $0xFFFF  }
0x41: {  	p0 =	sne.s32 s0, $0x0;
	_ =	strace $0x90000047  }
0x42: {  	s0 =	sadd.s32 @!p0 $0x100000, s2;
	[bflag:$0x2] =	sbarrier.arrive $0xFFFF  }
0x43: {  	[sflag:s0] =	ssyncadd.tile.s32 @!p0 $0x1;
	_ =	shalt  }
.Lfunc_end2:
_tile_overlayer_lowered:
.L_overlay_start_2:
0x44: {  	(tag) =	ssettag $0x2  }
0x45: {  	s0 =	rddreg [dreg:$0x0];
	s2 =	stileid.u32  }
0x46: {  	s1 =	rddreg [dreg:$0x1];
	p0 =	sne.s32 s2, $0x0  }
0x47: {  	s3 =	rddreg [dreg:$0x2];
	[bflag:$0x3] =	sbarrier.arrive $0xFFFF;
	s2 =	simm.s32 @!p0 $0x1C02  }
0x48: {  	[timem:s3], [sflag:s2] =	dma.local @!p0 [hbm:s0], s1  }
0x49: {  	s0 =	simm.s32 @!p0 $0x2  }
0x4a: {  	_ =	swait.ge @!p0 [sflag:s0], s1  }
0x4b: {  	s1 =	ssub.s32 @!p0 $0x0, s1;
	[sflag:s0] =	ssyncset.done @!p0 $0x0  }
0x4c: {  	[sflag:s0] =	ssyncadd.s32 @!p0 s1  }
0x4d: {  	[bflag:$0x3] =	sbarrier.arrive $0xFFFF  }
0x4e: {  	_ =	shalt  }

</sc_bundles>
